<compile_context>
chip_gen: v7x
topology: tpu7x:2x2x1
jax: 0.10.2.dev20260603
libtpu: 0.0.44.dev20260713+nightly
codegen_flags: <defaults>
</compile_context>

<pallas_src>
import jax
import jax.numpy as jnp
from jax import lax
from jax.experimental import pallas as pl
from jax.experimental.pallas import tpu as pltpu
from jax.experimental.pallas import tpu_sc as plsc

N = 10000
F = 128
HID = 256
E = 320000

NC, NS, L = 2, 16, 16
NW = NC * NS
WIN = 128
M = 2
NHALF = 2
HWPT = 40
WPT = NHALF * HWPT
E_PAD = NW * WPT * WIN
N_PAD = 10240
STRIPE = N_PAD // NS

def _mesh():
    return plsc.VectorSubcoreMesh(core_axis_name="c", subcore_axis_name="s")


def _fill(ref, value):
    rows, cols = ref.shape

    @pl.loop(0, rows)
    def _(i):
        @pl.loop(0, cols, step=L)
        def _(j):
            ref[i, pl.ds(j, L)] = jnp.full((L,), value, jnp.float32)


def _zero_stripe(acc_sh, zero_v, sid, zsem):
    del zsem
    zr = zero_v.shape[0]

    @pl.loop(0, STRIPE, step=zr)
    def _(r):
        pltpu.sync_copy(zero_v, acc_sh.at[pl.ds(sid * STRIPE + r, zr)])


def _sc_hist_body(dst_hbm, out_hbm, idx_v, zero_v, ones_v, acc_sh, ssem,
                  csem):
    del ssem
    cid = lax.axis_index("c")
    sid = lax.axis_index("s")
    wid = sid * NC + cid

    _fill(zero_v, 0.0)
    _zero_stripe(acc_sh, zero_v, sid, None)
    _fill(ones_v, 1.0)
    plsc.subcore_barrier()

    wbase = wid * WPT

    @pl.loop(0, WPT)
    def _(w):
        pltpu.sync_copy(dst_hbm.at[wbase + w], idx_v)
        pltpu.sync_copy(ones_v, acc_sh.at[idx_v.at[1]], add=True)

    plsc.subcore_barrier()
    pltpu.async_copy(
        acc_sh.at[pl.ds(sid * STRIPE, STRIPE)],
        out_hbm.at[cid, pl.ds(sid * STRIPE, STRIPE)],
        csem,
    ).wait()


def _sc_agg_body(xs_hbm, edges_hbm, out_hbm, idx_v, rows_v, acc_sh,
                 gsems, ssems, csem):
    cid = lax.axis_index("c")
    sid = lax.axis_index("s")
    wid = sid * NC + cid

    pltpu.async_copy(edges_hbm.at[wid, 0], idx_v, csem)
    _fill(rows_v.at[0], 0.0)
    _zero_stripe(acc_sh, rows_v.at[0], sid, ssems.at[0])
    pltpu.make_async_copy(edges_hbm.at[wid, 0], idx_v, csem).wait()
    plsc.subcore_barrier()

    def g_idx(cur):
        return idx_v.at[cur, 0]

    def s_idx(cur):
        return idx_v.at[cur, 1]

    for h in range(NHALF):
        for k in range(min(2, HWPT)):
            pltpu.async_copy(xs_hbm.at[g_idx(k)], rows_v.at[k % M],
                             gsems.at[k % M])

        @pl.loop(0, HWPT, step=M)
        def _(w):
            for k in range(M):
                b = k
                cur = w + k
                g = cur + 2
                bg = (k + 2) % M
                pltpu.make_async_copy(
                    xs_hbm.at[g_idx(cur)], rows_v.at[b], gsems.at[b]
                ).wait()
                pltpu.sync_copy(rows_v.at[b], acc_sh.at[s_idx(cur)],
                                add=True)

                @pl.when(g < HWPT)
                def _():
                    pltpu.async_copy(xs_hbm.at[g_idx(g)], rows_v.at[bg],
                                     gsems.at[bg])

        if h + 1 < NHALF:
            pltpu.async_copy(edges_hbm.at[wid, h + 1], idx_v, csem).wait()

    plsc.subcore_barrier()
    pltpu.async_copy(
        acc_sh.at[pl.ds(sid * STRIPE, STRIPE)],
        out_hbm.at[cid, pl.ds(sid * STRIPE, STRIPE)],
        csem,
    ).wait()


@jax.jit
def _sc_hist(dst_tiles):
    kern = pl.kernel(
        _sc_hist_body,
        out_type=jax.ShapeDtypeStruct((NC, N_PAD, L), jnp.float32),
        mesh=_mesh(),
        scratch_types=[
            pltpu.VMEM((2, WIN), jnp.int32),
            pltpu.VMEM((WIN, L), jnp.float32),
            pltpu.VMEM((WIN, L), jnp.float32),
            pltpu.VMEM_SHARED((N_PAD, L), jnp.float32),
            pltpu.SemaphoreType.DMA,
            pltpu.SemaphoreType.DMA,
        ],
    )
    return kern(dst_tiles)


@jax.jit
def _sc_agg(xs, edges):
    kern = pl.kernel(
        _sc_agg_body,
        out_type=jax.ShapeDtypeStruct((NC, N_PAD, F), jnp.float32),
        mesh=_mesh(),
        scratch_types=[
            pltpu.VMEM((HWPT, 2, WIN), jnp.int32),
            pltpu.VMEM((M, WIN, F), jnp.float32),
            pltpu.VMEM_SHARED((N_PAD, F), jnp.float32),
            pltpu.SemaphoreType.DMA((M,)),
            pltpu.SemaphoreType.DMA((M,)),
            pltpu.SemaphoreType.DMA,
        ],
    )
    return kern(xs, edges)



R_BLK = 1280
_GRID = N_PAD // R_BLK


def _dinv(hist_ref):
    deg = hist_ref[0, :, 0:1] + hist_ref[1, :, 0:1] + 1.0
    return lax.rsqrt(deg)


def _tc_scale_body(hist_ref, x_ref, xs_ref):
    xs_ref[...] = _dinv(hist_ref) * x_ref[...]


def _tc_mid_body(hist_ref, acc_ref, xs_ref, w1_ref, b1_ref, w2_ref, zs_ref):
    dinv = _dinv(hist_ref)
    t = dinv * (acc_ref[0] + acc_ref[1] + xs_ref[...])
    h = jnp.dot(t, w1_ref[...], preferred_element_type=jnp.float32)
    h = jnp.maximum(h + b1_ref[...], 0.0)
    z = jnp.dot(h, w2_ref[...], preferred_element_type=jnp.float32)
    zs_ref[...] = dinv * z


def _tc_final_body(hist_ref, acc_ref, zs_ref, b2_ref, out_ref):
    dinv = _dinv(hist_ref)
    out_ref[...] = dinv * (acc_ref[0] + acc_ref[1] + zs_ref[...]) + b2_ref[...]


def _hist_spec():
    return pl.BlockSpec((NC, R_BLK, L), lambda i: (0, i, 0))


def _acc_spec():
    return pl.BlockSpec((NC, R_BLK, F), lambda i: (0, i, 0))


def _row_spec(width):
    return pl.BlockSpec((R_BLK, width), lambda i: (i, 0))


def _full_spec(shape):
    return pl.BlockSpec(shape, lambda i: tuple(0 for _ in shape))


@jax.jit
def _tc_scale(hist, x_pad):
    return pl.pallas_call(
        _tc_scale_body,
        grid=(_GRID,),
        in_specs=[_hist_spec(), _row_spec(F)],
        out_specs=_row_spec(F),
        out_shape=jax.ShapeDtypeStruct((N_PAD, F), jnp.float32),
    )(hist, x_pad)


@jax.jit
def _tc_mid(hist, acc, xs, w1, b1, w2):
    return pl.pallas_call(
        _tc_mid_body,
        grid=(_GRID,),
        in_specs=[
            _hist_spec(),
            _acc_spec(),
            _row_spec(F),
            _full_spec((F, HID)),
            _full_spec((1, HID)),
            _full_spec((HID, F)),
        ],
        out_specs=_row_spec(F),
        out_shape=jax.ShapeDtypeStruct((N_PAD, F), jnp.float32),
    )(hist, acc, xs, w1, b1, w2)


@jax.jit
def _tc_final(hist, acc, zs, b2):
    return pl.pallas_call(
        _tc_final_body,
        grid=(_GRID,),
        in_specs=[
            _hist_spec(),
            _acc_spec(),
            _row_spec(F),
            _full_spec((1, F)),
        ],
        out_specs=_row_spec(F),
        out_shape=jax.ShapeDtypeStruct((N_PAD, F), jnp.float32),
    )(hist, acc, zs, b2)


def kernel(x, edge_index, W1, b1, W2, b2):
    src = edge_index[0].astype(jnp.int32)
    dst = edge_index[1].astype(jnp.int32)
    pad = E_PAD - E
    pad_idx = N + (jnp.arange(pad, dtype=jnp.int32) % (N_PAD - N))
    src_p = jnp.concatenate([src, pad_idx])
    dst_p = jnp.concatenate([dst, pad_idx])
    edges = (
        jnp.stack([src_p, dst_p], axis=0)
        .reshape(2, NW, NHALF, HWPT, WIN)
        .transpose(1, 2, 3, 0, 4)
    )
    x_pad = jnp.concatenate(
        [x, jnp.zeros((N_PAD - N, F), jnp.float32)], axis=0
    )

    hist = _sc_hist(edges.reshape(NW * WPT, 2, WIN))
    xs = _tc_scale(hist, x_pad)
    acc1 = _sc_agg(xs, edges)
    zs = _tc_mid(hist, acc1, xs, W1, b1.reshape(1, HID), W2)
    acc2 = _sc_agg(zs, edges)
    out = _tc_final(hist, acc2, zs, b2.reshape(1, F))
    return out[:N]

# --- scband reference (transcript-rebuilt; emitter-appended) ---
"""Pipeline reference for scband-gcnmodel-8186207666434 (READ-ONLY COPY).

The authoritative reference and input builder live on the scoring server;
editing this copy changes nothing except your own understanding.
"""

import jax, jax.numpy as jnp
import numpy as np

NUM_NODES = 10000
IN_F = 128
HID = 256
OUT_F = 128
NUM_EDGES = 320000


def setup_inputs(seed: int = 0) -> dict:
    key = jax.random.key(seed)
    k1, k2, k3, k4, k5, k6 = jax.random.split(key, 6)
    x = jax.random.normal(k1, (NUM_NODES, IN_F), dtype=jnp.float32)
    edge_index = jax.random.randint(k2, (2, NUM_EDGES), 0, NUM_NODES, dtype=jnp.int64)
    # Glorot-style init for GCNConv weights, zeros for biases (PyG default)
    W1 = jax.random.normal(k3, (IN_F, HID), dtype=jnp.float32) * (1.0 / np.sqrt(IN_F))
    b1 = jnp.zeros((HID,), dtype=jnp.float32)
    W2 = jax.random.normal(k4, (HID, OUT_F), dtype=jnp.float32) * (1.0 / np.sqrt(HID))
    b2 = jnp.zeros((OUT_F,), dtype=jnp.float32)
    return {"x": x, "edge_index": edge_index, "W1": W1, "b1": b1, "W2": W2, "b2": b2}


def gcn_conv(x, edge_index, W, b, num_nodes):
    # x' = D^{-1/2} (A + I) D^{-1/2} X W + b  (PyG GCNConv with add_self_loops=True)
    xW = x @ W
    loop = jnp.arange(num_nodes, dtype=edge_index.dtype)
    src = jnp.concatenate([edge_index[0], loop])
    dst = jnp.concatenate([edge_index[1], loop])
    ones = jnp.ones(src.shape[0], dtype=x.dtype)
    deg = jax.ops.segment_sum(ones, dst, num_segments=num_nodes)
    dinv = jnp.where(deg > 0, jax.lax.rsqrt(jnp.maximum(deg, 1e-12)), 0.0)
    norm = dinv[src] * dinv[dst]
    msgs = xW[src] * norm[:, None]
    out = jax.ops.segment_sum(msgs, dst, num_segments=num_nodes)
    return out + b


def reference(x, edge_index, W1, b1, W2, b2):
    n = x.shape[0]
    h = jax.nn.relu(gcn_conv(x, edge_index, W1, b1, n))
    # F.dropout with training=False (eval mode) is the identity
    out = gcn_conv(h, edge_index, W2, b2, n)
    return out

if __name__ == "__main__":
    import jax
    _d = setup_inputs()
    print(jax.jit(kernel)(*tuple(_d.values())))

</pallas_src>

<mosaic_0001>
#map = affine_map<(d0, d1) -> (0, 0, 0)>
module attributes {stable_mosaic.version = 14 : i64} {
  func.func @_sc_hist_body(%arg0: i32, %arg1: i32, %arg2: memref<2560x2x128xi32, #tpu.memory_space<hbm>>, %arg3: memref<2x10240x16xf32, #tpu.memory_space<hbm>>, %arg4: memref<2x128xi32, #tpu.memory_space<vmem>>, %arg5: memref<128x16xf32, #tpu.memory_space<vmem>>, %arg6: memref<128x16xf32, #tpu.memory_space<vmem>>, %arg7: memref<10240x16xf32, #tpu.memory_space<vmem_shared>>, %arg8: memref<!tpu.dma_semaphore, #tpu.memory_space<semaphore_mem>>, %arg9: memref<!tpu.dma_semaphore, #tpu.memory_space<semaphore_mem>>) attributes {dimension_semantics = [#tpu.dimension_semantics<core_parallel>, #tpu.dimension_semantics<subcore_parallel>], iteration_bounds = array<i64: 2, 16>, scalar_prefetch = 0 : i64, scratch_operands = 6 : i64, tpu.core_type = #tpu.core_type<sc_vector_subcore>, window_params = [{transform_indices = #map}, {transform_indices = #map}]} {
    %mul3A = arith.constant 2 : i32
    %mul3A_0 = arith.muli %arg1, %mul3A : i32
    %add3A = arith.addi %mul3A_0, %arg0 : i32
    %scan3A = arith.constant 0 : i32
    %scan3A_1 = arith.constant 128 : i32
    %scan3A_2 = arith.addi %scan3A, %scan3A_1 : i32
    %scan3A_3 = arith.constant 1 : i32
    scf.for %scan3A_35 = %scan3A to %scan3A_2 step %scan3A_3  : i32 {
      %mul3A_36 = arith.constant 1 : i32
      %mul3A_37 = arith.muli %scan3A_35, %mul3A_36 : i32
      %add3A_38 = arith.constant 0 : i32
      %add3A_39 = arith.addi %add3A_38, %mul3A_37 : i32
      %scan3A_40 = arith.constant 0 : i32
      %mul3A_41 = arith.constant 16 : i32
      %mul3A_42 = arith.muli %scan3A_40, %mul3A_41 : i32
      %add3A_43 = arith.constant 0 : i32
      %add3A_44 = arith.addi %add3A_43, %mul3A_42 : i32
      %broadcast_in_dim3A = arith.constant 0.000000e+00 : f32
      %broadcast_in_dim3A_45 = vector.broadcast %broadcast_in_dim3A : f32 to vector<16xf32>
      %swap3A = arith.index_cast %add3A_39 : i32 to index
      %swap3A_46 = arith.index_cast %add3A_44 : i32 to index
      %swap3A_47 = tpu.vector_load %arg5[%swap3A, %swap3A_46] {strides = array<i32>} : memref<128x16xf32, #tpu.memory_space<vmem>>, vector<1x16xf32>,
      %swap3A_48 = vector.shape_cast %swap3A_47 : vector<1x16xf32> to vector<16xf32>
      %swap3A_49 = vector.shape_cast %broadcast_in_dim3A_45 : vector<16xf32> to vector<1x16xf32>
      tpu.vector_store %arg5[%swap3A, %swap3A_46], %swap3A_49 {strides = array<i32>} : memref<128x16xf32, #tpu.memory_space<vmem>>, vector<1x16xf32>,
      %scan3A_50 = arith.constant 1 : i32
    }
    %scan3A_4 = arith.constant 128 : i32
    %scan3A_5 = arith.constant 0 : i32
    %scan3A_6 = arith.constant 5 : i32
    %scan3A_7 = arith.addi %scan3A_5, %scan3A_6 : i32
    %scan3A_8 = arith.constant 1 : i32
    scf.for %scan3A_35 = %scan3A_5 to %scan3A_7 step %scan3A_8  : i32 {
      %mul3A_36 = arith.constant 128 : i32
      %mul3A_37 = arith.muli %scan3A_35, %mul3A_36 : i32
      %add3A_38 = arith.constant 0 : i32
      %add3A_39 = arith.addi %add3A_38, %mul3A_37 : i32
      %mul3A_40 = arith.constant 640 : i32
      %mul3A_41 = arith.muli %arg1, %mul3A_40 : i32
      %add3A_42 = arith.addi %mul3A_41, %add3A_39 : i32
      "tpu.region"() ({
        %run_scoped3A = tpu.sem_alloc : memref<!tpu.dma_semaphore, #tpu.memory_space<semaphore_mem>>
        %dma_start3A_43 = arith.constant 0 : i32
        %dma_start3A_44 = tpu.memref_slice %arg7[%add3A_42, %dma_start3A_43] : memref<10240x16xf32, #tpu.memory_space<vmem_shared>> -> memref<128x16xf32, #tpu.memory_space<vmem_shared>>
        %dma_start3A_45 = arith.constant 0 : i32
        %dma_start3A_46 = tpu.memref_slice %arg7[%add3A_42, %dma_start3A_45] : memref<10240x16xf32, #tpu.memory_space<vmem_shared>> -> memref<128x16xf32, #tpu.memory_space<vmem_shared>>
        tpu.enqueue_dma source(%arg5 : memref<128x16xf32, #tpu.memory_space<vmem>>) target(%dma_start3A_46 : memref<128x16xf32, #tpu.memory_space<vmem_shared>>) target_semaphore(%run_scoped3A : memref<!tpu.dma_semaphore, #tpu.memory_space<semaphore_mem>>)
        %dma_wait3A_47 = arith.constant 0 : i32
        %dma_wait3A_48 = tpu.memref_slice %arg7[%add3A_42, %dma_wait3A_47] : memref<10240x16xf32, #tpu.memory_space<vmem_shared>> -> memref<128x16xf32, #tpu.memory_space<vmem_shared>>
        %dma_wait3A_49 = arith.constant 0 : i32
        %dma_wait3A_50 = tpu.memref_slice %arg7[%add3A_42, %dma_wait3A_49] : memref<10240x16xf32, #tpu.memory_space<vmem_shared>> -> memref<128x16xf32, #tpu.memory_space<vmem_shared>>
        tpu.wait_dma2 semaphore(%run_scoped3A : memref<!tpu.dma_semaphore, #tpu.memory_space<semaphore_mem>>) src(%arg5 : memref<128x16xf32, #tpu.memory_space<vmem>>) dst(%dma_wait3A_50 : memref<128x16xf32, #tpu.memory_space<vmem_shared>>)
        tpu.yield
      }) : () -> ()
    }
    %scan3A_9 = arith.constant 5 : i32
    %scan3A_10 = arith.constant 0 : i32
    %scan3A_11 = arith.constant 128 : i32
    %scan3A_12 = arith.addi %scan3A_10, %scan3A_11 : i32
    %scan3A_13 = arith.constant 1 : i32
    scf.for %scan3A_35 = %scan3A_10 to %scan3A_12 step %scan3A_13  : i32 {
      %mul3A_36 = arith.constant 1 : i32
      %mul3A_37 = arith.muli %scan3A_35, %mul3A_36 : i32
      %add3A_38 = arith.constant 0 : i32
      %add3A_39 = arith.addi %add3A_38, %mul3A_37 : i32
      %scan3A_40 = arith.constant 0 : i32
      %mul3A_41 = arith.constant 16 : i32
      %mul3A_42 = arith.muli %scan3A_40, %mul3A_41 : i32
      %add3A_43 = arith.constant 0 : i32
      %add3A_44 = arith.addi %add3A_43, %mul3A_42 : i32
      %broadcast_in_dim3A = arith.constant 1.000000e+00 : f32
      %broadcast_in_dim3A_45 = vector.broadcast %broadcast_in_dim3A : f32 to vector<16xf32>
      %swap3A = arith.index_cast %add3A_39 : i32 to index
      %swap3A_46 = arith.index_cast %add3A_44 : i32 to index
      %swap3A_47 = tpu.vector_load %arg6[%swap3A, %swap3A_46] {strides = array<i32>} : memref<128x16xf32, #tpu.memory_space<vmem>>, vector<1x16xf32>,
      %swap3A_48 = vector.shape_cast %swap3A_47 : vector<1x16xf32> to vector<16xf32>
      %swap3A_49 = vector.shape_cast %broadcast_in_dim3A_45 : vector<16xf32> to vector<1x16xf32>
      tpu.vector_store %arg6[%swap3A, %swap3A_46], %swap3A_49 {strides = array<i32>} : memref<128x16xf32, #tpu.memory_space<vmem>>, vector<1x16xf32>,
      %scan3A_50 = arith.constant 1 : i32
    }
    %scan3A_14 = arith.constant 128 : i32
    %barrier3A = arith.constant 0 : index
    tpu.barrier barrier_id(%barrier3A)
    %mul3A_15 = arith.constant 80 : i32
    %mul3A_16 = arith.muli %add3A, %mul3A_15 : i32
    %scan3A_17 = arith.constant 0 : i32
    %scan3A_18 = arith.constant 80 : i32
    %scan3A_19 = arith.addi %scan3A_17, %scan3A_18 : i32
    %scan3A_20 = arith.constant 1 : i32
    scf.for %scan3A_35 = %scan3A_17 to %scan3A_19 step %scan3A_20  : i32 {
      %mul3A_36 = arith.constant 1 : i32
      %mul3A_37 = arith.muli %scan3A_35, %mul3A_36 : i32
      %add3A_38 = arith.constant 0 : i32
      %add3A_39 = arith.addi %add3A_38, %mul3A_37 : i32
      %add3A_40 = arith.addi %mul3A_16, %add3A_39 : i32
      "tpu.region"() ({
        %run_scoped3A_41 = tpu.sem_alloc : memref<!tpu.dma_semaphore, #tpu.memory_space<semaphore_mem>>
        %dma_start3A_42 = arith.constant 0 : i32
        %dma_start3A_43 = arith.constant 0 : i32
        %dma_start3A_44 = tpu.memref_slice %arg2[%add3A_40, %dma_start3A_42, %dma_start3A_43] : memref<2560x2x128xi32, #tpu.memory_space<hbm>> -> memref<1x2x128xi32, #tpu.memory_space<hbm>>
        %dma_start3A_45 = tpu.memref_squeeze %dma_start3A_44 : memref<1x2x128xi32, #tpu.memory_space<hbm>> -> memref<2x128xi32, #tpu.memory_space<hbm>>
        %dma_start3A_46 = arith.constant 0 : i32
        %dma_start3A_47 = arith.constant 0 : i32
        %dma_start3A_48 = tpu.memref_slice %arg2[%add3A_40, %dma_start3A_46, %dma_start3A_47] : memref<2560x2x128xi32, #tpu.memory_space<hbm>> -> memref<1x2x128xi32, #tpu.memory_space<hbm>>
        %dma_start3A_49 = tpu.memref_squeeze %dma_start3A_48 : memref<1x2x128xi32, #tpu.memory_space<hbm>> -> memref<2x128xi32, #tpu.memory_space<hbm>>
        tpu.enqueue_dma source(%dma_start3A_49 : memref<2x128xi32, #tpu.memory_space<hbm>>) target(%arg4 : memref<2x128xi32, #tpu.memory_space<vmem>>) target_semaphore(%run_scoped3A_41 : memref<!tpu.dma_semaphore, #tpu.memory_space<semaphore_mem>>)
        %dma_wait3A_50 = arith.constant 0 : i32
        %dma_wait3A_51 = arith.constant 0 : i32
        %dma_wait3A_52 = tpu.memref_slice %arg2[%add3A_40, %dma_wait3A_50, %dma_wait3A_51] : memref<2560x2x128xi32, #tpu.memory_space<hbm>> -> memref<1x2x128xi32, #tpu.memory_space<hbm>>
        %dma_wait3A_53 = tpu.memref_squeeze %dma_wait3A_52 : memref<1x2x128xi32, #tpu.memory_space<hbm>> -> memref<2x128xi32, #tpu.memory_space<hbm>>
        %dma_wait3A_54 = arith.constant 0 : i32
        %dma_wait3A_55 = arith.constant 0 : i32
        %dma_wait3A_56 = tpu.memref_slice %arg2[%add3A_40, %dma_wait3A_54, %dma_wait3A_55] : memref<2560x2x128xi32, #tpu.memory_space<hbm>> -> memref<1x2x128xi32, #tpu.memory_space<hbm>>
        %dma_wait3A_57 = tpu.memref_squeeze %dma_wait3A_56 : memref<1x2x128xi32, #tpu.memory_space<hbm>> -> memref<2x128xi32, #tpu.memory_space<hbm>>
        tpu.wait_dma2 semaphore(%run_scoped3A_41 : memref<!tpu.dma_semaphore, #tpu.memory_space<semaphore_mem>>) src(%dma_wait3A_57 : memref<2x128xi32, #tpu.memory_space<hbm>>) dst(%arg4 : memref<2x128xi32, #tpu.memory_space<vmem>>)
        tpu.yield
      }) : () -> ()
      %run_scoped3A = arith.constant 1 : i32
      "tpu.region"() ({
        %run_scoped3A_41 = tpu.sem_alloc : memref<!tpu.dma_semaphore, #tpu.memory_space<semaphore_mem>>
        %dma_start3A_42 = arith.constant 0 : i32
        %dma_start3A_43 = tpu.memref_slice %arg4[%run_scoped3A, %dma_start3A_42] : memref<2x128xi32, #tpu.memory_space<vmem>> -> memref<1x128xi32, #tpu.memory_space<vmem>>
        %dma_start3A_44 = tpu.memref_squeeze %dma_start3A_43 : memref<1x128xi32, #tpu.memory_space<vmem>> -> memref<128xi32, #tpu.memory_space<vmem>>
        %dma_start3A_45 = arith.constant 0 : i32
        %dma_start3A_46 = arith.constant 0 : i32
        %dma_start3A_47 = tpu.memref_slice %arg7[%dma_start3A_45, %dma_start3A_46] : memref<10240x16xf32, #tpu.memory_space<vmem_shared>> -> memref<10240x16xf32, #tpu.memory_space<vmem_shared>>
        tpu.enqueue_indirect_dma source(%arg6 : memref<128x16xf32, #tpu.memory_space<vmem>>) target(%dma_start3A_47 : memref<10240x16xf32, #tpu.memory_space<vmem_shared>>) offsets(%dma_start3A_44 : memref<128xi32, #tpu.memory_space<vmem>>) semaphore(%run_scoped3A_41 : memref<!tpu.dma_semaphore, #tpu.memory_space<semaphore_mem>>) {add = true}
        %dma_wait3A_48 = arith.constant 0 : i32
        %dma_wait3A_49 = tpu.memref_slice %arg4[%run_scoped3A, %dma_wait3A_48] : memref<2x128xi32, #tpu.memory_space<vmem>> -> memref<1x128xi32, #tpu.memory_space<vmem>>
        %dma_wait3A_50 = tpu.memref_squeeze %dma_wait3A_49 : memref<1x128xi32, #tpu.memory_space<vmem>> -> memref<128xi32, #tpu.memory_space<vmem>>
        %dma_wait3A_51 = arith.constant 0 : i32
        %dma_wait3A_52 = arith.constant 0 : i32
        %dma_wait3A_53 = tpu.memref_slice %arg7[%dma_wait3A_51, %dma_wait3A_52] : memref<10240x16xf32, #tpu.memory_space<vmem_shared>> -> memref<10240x16xf32, #tpu.memory_space<vmem_shared>>
        tpu.wait_indirect_dma semaphore(%run_scoped3A_41 : memref<!tpu.dma_semaphore, #tpu.memory_space<semaphore_mem>>) src(%arg6 : memref<128x16xf32, #tpu.memory_space<vmem>>) dst(%dma_wait3A_53 : memref<10240x16xf32, #tpu.memory_space<vmem_shared>>)
        tpu.yield
      }) : () -> ()
    }
    %scan3A_21 = arith.constant 80 : i32
    %barrier3A_22 = arith.constant 0 : index
    tpu.barrier barrier_id(%barrier3A_22)
    %mul3A_23 = arith.constant 640 : i32
    %mul3A_24 = arith.muli %arg1, %mul3A_23 : i32
    %mul3A_25 = arith.constant 640 : i32
    %mul3A_26 = arith.muli %arg1, %mul3A_25 : i32
    %dma_start3A = arith.constant 0 : i32
    %dma_start3A_27 = tpu.memref_slice %arg3[%arg0, %mul3A_26, %dma_start3A] : memref<2x10240x16xf32, #tpu.memory_space<hbm>> -> memref<1x640x16xf32, #tpu.memory_space<hbm>>
    %dma_start3A_28 = tpu.memref_squeeze %dma_start3A_27 : memref<1x640x16xf32, #tpu.memory_space<hbm>> -> memref<640x16xf32, #tpu.memory_space<hbm>>
    %dma_start3A_29 = arith.constant 0 : i32
    %dma_start3A_30 = tpu.memref_slice %arg7[%mul3A_24, %dma_start3A_29] : memref<10240x16xf32, #tpu.memory_space<vmem_shared>> -> memref<640x16xf32, #tpu.memory_space<vmem_shared>>
    tpu.enqueue_dma source(%dma_start3A_30 : memref<640x16xf32, #tpu.memory_space<vmem_shared>>) target(%dma_start3A_28 : memref<640x16xf32, #tpu.memory_space<hbm>>) target_semaphore(%arg9 : memref<!tpu.dma_semaphore, #tpu.memory_space<semaphore_mem>>)
    %dma_wait3A = arith.constant 0 : i32
    %dma_wait3A_31 = tpu.memref_slice %arg3[%arg0, %mul3A_26, %dma_wait3A] : memref<2x10240x16xf32, #tpu.memory_space<hbm>> -> memref<1x640x16xf32, #tpu.memory_space<hbm>>
    %dma_wait3A_32 = tpu.memref_squeeze %dma_wait3A_31 : memref<1x640x16xf32, #tpu.memory_space<hbm>> -> memref<640x16xf32, #tpu.memory_space<hbm>>
    %dma_wait3A_33 = arith.constant 0 : i32
    %dma_wait3A_34 = tpu.memref_slice %arg7[%mul3A_24, %dma_wait3A_33] : memref<10240x16xf32, #tpu.memory_space<vmem_shared>> -> memref<640x16xf32, #tpu.memory_space<vmem_shared>>
    tpu.wait_dma2 semaphore(%arg9 : memref<!tpu.dma_semaphore, #tpu.memory_space<semaphore_mem>>) src(%dma_wait3A_34 : memref<640x16xf32, #tpu.memory_space<vmem_shared>>) dst(%dma_wait3A_32 : memref<640x16xf32, #tpu.memory_space<hbm>>)
    return
  }
}

</mosaic_0001>

<sc_bundles>
// kernel: _sc_hist.3.cloned.1.call-start
scs
__scs_entry_jumppad:
0x0: {  	(pc) =	sbr.rel $0x88, $3  }
0x1: {  	(tag) =	ssettag $0x0;
	lr =	simm.s32 $0x1  }
0x2: {  	[smem:$0x3FA0] =	sst lr;
	_ =	strace $0xD0000000  }
0x3: {  	_ = 	snop  }
0x4: {  	_ = 	snop  }
0x5: {  	_ = 	snop  }
0x6: {  	_ = 	snop  }
0x7: {  	_ = 	snop  }
__scs_overlays_trampoline_lowered:
0x8: {  	[smem:$0x3FAF] =	sst s0  }
0x9: {  	[smem:$0x3FB0] =	sst s1  }
0xa: {  	[smem:$0x3FB1] =	sst s2  }
0xb: {  	[smem:$0x3FB2] =	sst s3  }
0xc: {  	[smem:$0x3FB3] =	sst s4  }
0xd: {  	[smem:$0x3FB4] =	sst s5  }
0xe: {  	[smem:$0x3FB5] =	sst s6  }
0xf: {  	[smem:$0x3FB6] =	sst s7  }
0x10: {  	[smem:$0x3FB7] =	sst s8  }
0x11: {  	[smem:$0x3FB8] =	sst s9;
	s0 =	simm.s32 @!p0 $0x0  }
0x12: {  	s1 =	sld [smem:$0x3F9E];
	s0 =	simm.s32 @p0 $0x1  }
0x13: {  	[smem:$0x3FB9] =	sst s0;
	s0 =	simm.s32 @!p1 $0x0  }
0x14: {  	s2 =	sld [smem:$0x3F9D];
	s0 =	simm.s32 @p1 $0x1  }
0x15: {  	[smem:$0x3FBA] =	sst s0;
	s0 =	simm.s32 @!p2 $0x0  }
0x16: {  	s3 =	sld [smem:$0x3FDB];
	s0 =	simm.s32 @p2 $0x1  }
0x17: {  	s4 =	simm.s32 $0x1BF5;
	[smem:$0x3FBC] =	sst s0  }
0x18: {  	s0 =	sld [smem:$0x3F9F];
	_ =	swait.ge [sflag:s4], $0x0  }
0x19: {  	s7 =	sld [smem:$0x3FA0]  }
0x1a: {  	s8 =	sadd.s32 $0xFFFFE003, lr  }
0x1b: {  	s9 =	sadd.s32 $0xFFFFFEF7, lr;
	s5 =	simm.s32 $0xFFFFFFFF;
	p2 =	slt.u32 s8, $0xFFFFF086  }
0x1c: {  	p1 =	slt.u32 s9, $0xF7A;
	s5 =	simm.s32 @!p2 $0x0  }
0x1d: {  	s5 =	simm.s32 @p1 $0x1;
	p0 =	seq.s32 s7, s2  }
0x1e: {  	s7 =	smul.u32 @!p0 $0xF7A, s2;
	p2 =	seq.s32 @!p0 s5, $0x0  }
0x1f: {  	s9 =	smul.u32 $0xF7A, s1;
	s8 =	simm.s32 @!p0 $0x1BF5;
	p2 =	por !p2, p0  }
0x20: {  	[sflag:s8] =	ssyncset.s32 @!p0 $0xFFFFF086;
	s6 =	sadd.s32 @!p0 s3, s7;
	s7 =	simm.s32 @!p0 $0x108  }
0x21: {  	s3 =	sadd.s32 s3, s9;
	s6 =	sadd.s32 @!p0 $0x88, s6;
	s7 =	simm.s32 @p2 $0x1082  }
0x22: {  	[simem:s7], [sflag:s8] =	dma.local @!p0 [hbm:s6], $0xF7A  }
0x23: {  	s9 =	sor.u32 $0xD0000000, s2;
	s6 =	simm.s32 $0x108;
	_ =	swait.ge @!p0 [sflag:s8], $0x0  }
0x24: {  	s3 =	sadd.s32 $0x88, s3;
	s6 =	simm.s32 @!p1 $0x1082;
	[sflag:s4] =	ssyncset.s32 $0xFFFFF086  }
0x25: {  	[simem:s6], [sflag:s4] =	dma.local [hbm:s3], $0xF7A  }
0x26: {  	[smem:$0x3FA0] =	sst s1;
	(tag) =	ssettag s2;
	_ =	strace s9  }
0x27: {  	s1 =	sld [smem:$0x3FB0]  }
0x28: {  	s2 =	sld [smem:$0x3FB1]  }
0x29: {  	s4 =	sld [smem:$0x3FB3]  }
0x2a: {  	p0 =	seq.s32 s5, $0x0;
	s5 =	sld [smem:$0x3FB4]  }
0x2b: {  	s6 =	sld [smem:$0x3FB5]  }
0x2c: {  	s7 =	sld [smem:$0x3FB6]  }
0x2d: {  	s3 =	simm.s32 $0x108;
	s8 =	sld [smem:$0x3FB7]  }
0x2e: {  	s3 =	simm.s32 @!p0 $0x1082;
	s9 =	sld [smem:$0x3FB8]  }
0x2f: {  	lr =	sadd.s32 s0, s3;
	s0 =	sld [smem:$0x3FAF]  }
0x30: {  	s3 =	sld [smem:$0x3FB2]  }
0x31: {  	[smem:$0x3FBB] =	sst s10  }
0x32: {  	s10 =	sld [smem:$0x3FB9];
	_ =	sdelay $0x3  }
0x33: {  	p0 =	seq.s32 s10, $0x1;
	s10 =	sld [smem:$0x3FBB];
	_ =	sdelay $0x3  }
0x34: {  	[smem:$0x3FBB] =	sst s10  }
0x35: {  	s10 =	sld [smem:$0x3FBA];
	_ =	sdelay $0x3  }
0x36: {  	p1 =	seq.s32 s10, $0x1;
	s10 =	sld [smem:$0x3FBB];
	_ =	sdelay $0x3  }
0x37: {  	[smem:$0x3FBB] =	sst s10  }
0x38: {  	s10 =	sld [smem:$0x3FBC]  }
0x39: {  	_ = 	snop;
	(pc) =	sbr.ind lr, $3  }
0x3a: {  	_ = 	snop  }
0x3b: {  	_ = 	snop  }
0x3c: {  	p2 =	seq.s32 s10, $0x1;
	s10 =	sld [smem:$0x3FBB]  }
0x3d: {  	_ =	shalt  }
0x3e: {  	_ =	shalt  }
0x3f: {  	_ =	shalt  }
0x40: {  	_ =	shalt  }
0x41: {  	_ =	shalt  }
0x42: {  	_ =	shalt  }
0x43: {  	_ =	shalt  }
0x44: {  	_ =	shalt  }
0x45: {  	_ =	shalt  }
0x46: {  	_ =	shalt  }
0x47: {  	_ =	shalt  }
0x48: {  	_ =	shalt  }
0x49: {  	_ =	shalt  }
0x4a: {  	_ =	shalt  }
0x4b: {  	_ =	shalt  }
0x4c: {  	_ =	shalt  }
0x4d: {  	_ =	shalt  }
0x4e: {  	_ =	shalt  }
0x4f: {  	_ =	shalt  }
0x50: {  	_ =	shalt  }
0x51: {  	_ =	shalt  }
0x52: {  	_ =	shalt  }
0x53: {  	_ =	shalt  }
0x54: {  	_ =	shalt  }
0x55: {  	_ =	shalt  }
0x56: {  	_ =	shalt  }
0x57: {  	_ =	shalt  }
0x58: {  	_ =	shalt  }
0x59: {  	_ =	shalt  }
0x5a: {  	_ =	shalt  }
0x5b: {  	_ =	shalt  }
0x5c: {  	_ =	shalt  }
0x5d: {  	_ =	shalt  }
0x5e: {  	_ =	shalt  }
0x5f: {  	_ =	shalt  }
0x60: {  	_ =	shalt  }
0x61: {  	_ =	shalt  }
0x62: {  	_ =	shalt  }
0x63: {  	_ =	shalt  }
0x64: {  	_ =	shalt  }
0x65: {  	_ =	shalt  }
0x66: {  	_ =	shalt  }
0x67: {  	_ =	shalt  }
0x68: {  	_ =	shalt  }
0x69: {  	_ =	shalt  }
0x6a: {  	_ =	shalt  }
0x6b: {  	_ =	shalt  }
0x6c: {  	_ =	shalt  }
0x6d: {  	_ =	shalt  }
0x6e: {  	_ =	shalt  }
0x6f: {  	_ =	shalt  }
0x70: {  	_ =	shalt  }
0x71: {  	_ =	shalt  }
0x72: {  	_ =	shalt  }
0x73: {  	_ =	shalt  }
0x74: {  	_ =	shalt  }
0x75: {  	_ =	shalt  }
0x76: {  	_ =	shalt  }
0x77: {  	_ =	shalt  }
0x78: {  	_ =	shalt  }
0x79: {  	_ =	shalt  }
0x7a: {  	_ =	shalt  }
0x7b: {  	_ =	shalt  }
0x7c: {  	_ =	shalt  }
0x7d: {  	_ =	shalt  }
0x7e: {  	_ =	shalt  }
0x7f: {  	_ =	shalt  }
0x80: {  	_ =	shalt  }
0x81: {  	_ =	shalt  }
0x82: {  	_ =	shalt  }
0x83: {  	_ =	shalt  }
0x84: {  	_ =	shalt  }
0x85: {  	_ =	shalt  }
0x86: {  	_ =	shalt  }
0x87: {  	_ =	shalt  }
.Lfunc_end0:
.L_simem_size_0:
called_computation_lowered:
.L_overlay_start_0:
0x88: {  	s2 =	sld [smem:$0x3FD9]  }
0x89: {  	s3 =	sld [smem:$0x3FFE];
	_ =	sdelay $0x1  }
0x8a: {  	s1 =	srdreg.scid  }
0x8b: {  	s0 =	sand.u32 $0x1, s1  }
0x8c: {  	s17 =	sshll.u32 s0, $0xA;
	s2 =	sadd.s32 s3, s2  }
0x8d: {  	s2 =	sadd.s32 s2, s17  }
0x8e: {  	[smem:$0x3FC7] =	sst s2  }
0x8f: {  	_ = 	snop  }
0x90: {  	s2 =	sld [smem:$0x3FC9];
	(tm) =	ssettm $0x1  }
0x91: {  	s18 =	sld [smem:$0x3FFB];
	_ =	sdelay $0x3  }
0x92: {  	_ =	strace s18  }
0x93: {  	s3 =	sld [smem:$0x3FFC];
	_ =	sdelay $0x3  }
0x94: {  	_ =	strace s3  }
0x95: {  	s3 =	sld [smem:$0x3FFD];
	_ =	sdelay $0x3  }
0x96: {  	_ =	strace s3  }
0x97: {  	_ =	strace $0x8FFFFFFF  }
0x98: {  	s19 =	sld [smem:$0x3FDB];
	_ =	sdelay $0x1  }
0x99: {  	s4 =	simm.s32 $_scs_section_size  }
0x9a: {  	s5 =	simm.s32 $_size__tile_overlayer_lowered;
	s6 =	simm.s32 $_tile_overlayer_lowered  }
0x9b: {  	s22 =	simm.s32 $0x1BFF;
	s21 =	sshll.u32 s6, $0x1;
	s3 =	sadd.s32 s4, s19  }
0x9c: {  	s7 =	simm.s32 $0x0;
	s20 =	sshll.u32 s5, $0x1;
	s5 =	sadd.s32 s21, s3  }
0x9d: {  	[timem:s7], [sflag:s22] =	dma.local [hbm:s5], s20  }
0x9e: {  	_ =	swait.ge [sflag:s22], s20  }
0x9f: {  	s4 =	ssub.s32 $0x0, s20;
	[sflag:s22] =	ssyncset.done $0x0  }
0xa0: {  	[sflag:s22] =	ssyncadd.s32 s4;
	_ =	sdelay $0x1  }
0xa1: {  	s23 =	simm.s32 $0x1B8B  }
0xa2: {  	_ =	swait.ge [sflag:s23], $0x1  }
0xa3: {  	[sflag:s23] =	ssyncset.done $0x0  }
0xa4: {  	s25 =	simm.s32 $0x1B8E;
	s24 =	sld [smem:$0x3FFE];
	[sflag:s23] =	ssyncadd.s32 $0xFFFFFFFF  }
0xa5: {  	s26 =	simm.s32 $execute0_lowered;
	[smem:$0x3FD2] =	sst s25  }
0xa6: {  	s5 =	sshll.u32 s26, $0x1;
	_ =	strace $0x80000046;
	[dreg:$0x1] =	wrdreg $0xFFFFFFFF  }
0xa7: {  	s28 =	simm.s32 $_size_execute0_lowered;
	s3 =	sadd.s32 s3, s5;
	[dreg:$0x0] =	wrdreg $0x0  }
0xa8: {  	s5 =	sshll.u32 s28, $0x1;
	[dreg:$0x2] =	wrdreg s3  }
0xa9: {  	[dreg:$0x3] =	wrdreg s5  }
0xaa: {  	[dreg:$0x4] =	wrdreg $0xC0  }
0xab: {  	_ =	task [dreg:s7], $0x5FFFF  }
0xac: {  	[dreg:$0x1] =	wrdreg $0xFFFFFFFF  }
0xad: {  	[dreg:$0x0] =	wrdreg $0x60  }
0xae: {  	[dreg:$0x2] =	wrdreg s2  }
0xaf: {  	[dreg:$0x3] =	wrdreg s24  }
0xb0: {  	[dreg:$0x4] =	wrdreg $0x81000  }
0xb1: {  	[dreg:$0x5] =	wrdreg $0x9  }
0xb2: {  	_ =	task.clear_ibuf [dreg:s7], $0x6FFFF;
	_ =	strace $0x90000046  }
0xb3: {  	s29 =	simm.s32 $0x9;
	_ =	strace $0x80000048  }
0xb4: {  	_ =	swait.ge [sflag:s29], $0x1  }
0xb5: {  	[sflag:s29] =	ssyncadd.s32 $0xFFFFFFFF  }
0xb6: {  	_ =	strace $0x90000048  }
0xb7: {  	_ =	sfence  }
0xb8: {  	s30 =	sld [smem:$0x0];
	_ =	sdelay $0x2  }
0xb9: {  	s31 =	sshll.u32 s1, $0xD;
	s1 =	sshrl.u32 s1, $0x2  }
0xba: {  	s3 =	sand.u32 $0x4000, s31;
	s1 =	sadd.s32 s1, s30  }
0xbb: {  	s0 =	sor.u32 s3, s0;
	s1 =	sshll.u32 s1, $0x11  }
0xbc: {  	s0 =	sor.u32 s1, s0  }
0xbd: {  	s0 =	sadd.s32 $0x8F2B, s0  }
0xbe: {  	[sflag:s0] =	ssyncadd.remote.s32 $0x1  }
0xbf: {  	_ =	sfence.sel $0xFFFF  }
0xc0: {  	[dreg:$0x0] =	wrdreg $0xFFFFFFFF;
	(pc) =	sbr.abs _section_cstart, $3  }
0xc1: {  	[dreg:$0x1] =	wrdreg $0xFFFFFFFF  }
0xc2: {  	_ =	task.clear_ibuf [dreg:s7], $0x2FFFF;
	_ =	strace $0x9FFFFFFF  }
0xc3: {  	(tm) =	ssettm $0x7FFFFFFF  }
tec
execute0_lowered:
.L_overlay_start_1:
0x0: {  	(tag) =	ssettag $0x1  }
0x1: {  	s9 =	rddreg [dreg:$0x0]  }
0x2: {  	s4 =	rddreg [dreg:$0x1]  }
0x3: {  	s0 =	srdreg.scid;
	s2 =	rddreg [dreg:$0x2]  }
0x4: {  	s1 =	rddreg [dreg:$0x3];
	s3 =	simm.s32 $0x0;
	s7 =	sand.u32 $0x1, s0  }
0x5: {  	s13 =	simm.s32 $0x2;
	s0 =	stileid.u32;
	s5 =	smul.u32 $0x140000, s7  }
0x6: {  	s14 =	simm.s32 $0x80;
	s15 =	simm.s32 $0x4100;
	s6 =	smul.u32 $0x14000, s0  }
0x7: {  	s18 =	simm.s32 $0x1;
	[smem:$0x7FF] =	sst s3;
	s30 =	smul.u32 $0x50000, s0  }
0x8: {  	s19 =	simm.s32 $0x0;
	_ =	strace $0x80000047;
	s10 =	smul.u32 $0x1400, s0  }
0x9: {  	s8 =	ssub.s32 $0x2, s7;
	s11 =	smul.u32 $0xA00, s7;
	s16 =	sshll.u32 s0, $0x6  }
0xa: {  	s31 =	sshrl.u32 s8, $0x1;
	s16 =	sor.u32 $0x1C01, s16;
	s5 =	sadd.s32 s6, s5  }
0xb: {  	s6 =	sshrl.u32 s30, $0x2;
	s8 =	ssub.s32 s8, s31;
	s12 =	sadd.s32 s10, s9  }
0xc: {  	s5 =	sshrl.u32 s5, $0x3;
	s11 =	sadd.s32 s11, s12;
	s12 =	simm.s32 $0x100  }
0xd: {  	s5 =	sadd.s32 s5, s4;
	s4 =	sadd.s32 s6, s2;
	s6 =	smax.u32 s8, $0x1  }
0xe: {  	s5 =	sadd.s32 $0x400, s5;
	s7 =	sadd.s32 $0x4000, s4;
	s8 =	sadd.s32 $0x8000, s4  }
0xf: {  	v0 =	vimm.f32 $0.0e+00;
	v1 =	vimm.f32 $1.000000000e+00;
	s9 =	sadd.s32 $0xC000, s4;
	s10 =	sadd.s32 $0x10000, s4;
	s17 =	sshrl.u32 s4, $0x3  }
.LBB2_1:
0x10: {  	s20 =	simm.s32 $0x200;
	s21 =	simm.s32 $0x0  }
.LBB2_2:
0x11: {  	p0 =	sne.s32 s20, $0xFE00;
	[tilespmem:s21+$0x100] =	vst v0;
	s21 =	smov.u32 s20;
	s20 =	sadd.s32 $0x200, s20  }
.Ltmp0:
0x12: {  	(pc) =	sbr.rel @p0 .LBB2_2-.Ltmp0, $2  }
0x13: {  	_ =	sdelay $0x2  }
0x14: {  	s21 =	sshra.s32 s21, $0x2  }
0x15: {  	[tilespmem:s21+$0x100] =	vst v0  }
0x16: {  	[spmem:s4] =	stream.linear.scatter [tilespmem:s12], [sflag:$0x2], $0x4000, $0x38;
	[tilespmem:$0xA900] =	vst v63  }
0x17: {  	_ =	swait.ge [sflag:s13], $0x4000  }
0x18: {  	[sflag:s13] =	ssyncset.done $0x0  }
0x19: {  	[sflag:s13] =	ssyncadd.s32 $0xFFFFC000  }
0x1a: {  	[spmem:s7] =	stream.linear.scatter [tilespmem:s12], [sflag:$0x2], $0x4000, $0x38;
	[tilespmem:$0xA900] =	vst v63  }
0x1b: {  	_ =	swait.ge [sflag:s13], $0x4000  }
0x1c: {  	[sflag:s13] =	ssyncset.done $0x0  }
0x1d: {  	[sflag:s13] =	ssyncadd.s32 $0xFFFFC000  }
0x1e: {  	[spmem:s8] =	stream.linear.scatter [tilespmem:s12], [sflag:$0x2], $0x4000, $0x38;
	[tilespmem:$0xA900] =	vst v63  }
0x1f: {  	_ =	swait.ge [sflag:s13], $0x4000  }
0x20: {  	[sflag:s13] =	ssyncset.done $0x0  }
0x21: {  	[sflag:s13] =	ssyncadd.s32 $0xFFFFC000  }
0x22: {  	[spmem:s9] =	stream.linear.scatter [tilespmem:s12], [sflag:$0x2], $0x4000, $0x38;
	[tilespmem:$0xA900] =	vst v63  }
0x23: {  	_ =	swait.ge [sflag:s13], $0x4000  }
0x24: {  	[sflag:s13] =	ssyncset.done $0x0  }
0x25: {  	[sflag:s13] =	ssyncadd.s32 $0xFFFFC000  }
0x26: {  	[spmem:s10] =	stream.linear.scatter [tilespmem:s12], [sflag:$0x2], $0x4000, $0x38;
	[tilespmem:$0xA900] =	vst v63  }
0x27: {  	_ =	swait.ge [sflag:s13], $0x4000  }
0x28: {  	[sflag:s13] =	ssyncset.done $0x0  }
0x29: {  	s20 =	simm.s32 $0x200;
	s21 =	simm.s32 $0x0;
	[sflag:s13] =	ssyncadd.s32 $0xFFFFC000  }
.LBB2_4:
0x2a: {  	p0 =	sne.s32 s20, $0xFE00;
	[tilespmem:s21+$0x4100] =	vst v1;
	s21 =	smov.u32 s20;
	s20 =	sadd.s32 $0x200, s20  }
.Ltmp1:
0x2b: {  	(pc) =	sbr.rel @p0 .LBB2_4-.Ltmp1, $2  }
0x2c: {  	_ =	sdelay $0x2  }
0x2d: {  	s21 =	sshra.s32 s21, $0x2  }
0x2e: {  	[tilespmem:s21+$0x4100] =	vst v1  }
0x2f: {  	s20 =	sadd.s32 $0x0, s11;
	[bflag:$0x0] =	sbarrier.arrive $0xFFFF  }
0x30: {  	[tilespmem:s3], [sflag:$0x2] =	stream.linear.gather [hbm4b:s20+s3], $0x100, $0x38;
	[tilespmem:$0xA900] =	vst v63  }
0x31: {  	_ =	swait.ge [sflag:s13], $0x100  }
0x32: {  	[sflag:s13] =	ssyncset.done $0x0  }
0x33: {  	[sflag:s13] =	ssyncadd.s32 $0xFFFFFF00  }
0x34: {  	[spmem:s2] =	stream.indirect.scatter.add.f32 [tilespmem:s15], [sflag:$0x2], $0x10, s14, s14, $0xb8;
	[tilespmem:$0xA900] =	vst v63  }
0x35: {  	_ =	swait.ge [sflag:s13], $0x800  }
0x36: {  	s21 =	simm.s32 $0x40;
	s20 =	simm.s32 $0x20;
	[sflag:s13] =	ssyncset.done $0x0  }
.LBB2_6:
0x37: {  	s22 =	sadd.s32 s20, s11  }
0x38: {  	[sflag:s13] =	ssyncadd.s32 $0xFFFFF800;
	s20 =	smov.u32 s21;
	s23 =	sadd.s32 $0x20, s21  }
0x39: {  	[tilespmem:s3], [sflag:$0x2] =	stream.linear.gather [hbm4b:s22+s3], $0x100, $0x38;
	[tilespmem:$0xA900] =	vst v63  }
0x3a: {  	p0 =	sne.s32 s21, $0x9E0;
	_ =	swait.ge [sflag:s13], $0x100  }
.Ltmp2:
0x3b: {  	[sflag:s13] =	ssyncset.done $0x0;
	(pc) =	sbr.rel @p0 .LBB2_6-.Ltmp2, $4  }
0x3c: {  	[sflag:s13] =	ssyncadd.s32 $0xFFFFFF00  }
0x3d: {  	[spmem:s2] =	stream.indirect.scatter.add.f32 [tilespmem:s15], [sflag:$0x2], $0x10, s14, s14, $0xb8;
	[tilespmem:$0xA900] =	vst v63  }
0x3e: {  	_ =	swait.ge [sflag:s13], $0x800  }
0x3f: {  	s21 =	smov.u32 s23;
	[sflag:s13] =	ssyncset.done $0x0  }
0x40: {  	s20 =	sadd.s32 s20, s11;
	[sflag:s13] =	ssyncadd.s32 $0xFFFFF800  }
0x41: {  	[tilespmem:s3], [sflag:$0x2] =	stream.linear.gather [hbm4b:s20+s3], $0x100, $0x38;
	[tilespmem:$0xA900] =	vst v63  }
0x42: {  	_ =	swait.ge [sflag:s13], $0x100  }
0x43: {  	[sflag:s13] =	ssyncset.done $0x0  }
0x44: {  	[sflag:s13] =	ssyncadd.s32 $0xFFFFFF00  }
0x45: {  	[spmem:s2] =	stream.indirect.scatter.add.f32 [tilespmem:s15], [sflag:$0x2], $0x10, s14, s14, $0xb8;
	[tilespmem:$0xA900] =	vst v63  }
0x46: {  	_ =	swait.ge [sflag:s13], $0x800  }
0x47: {  	s19 =	sadd.s32 $0x1, s19;
	[sflag:s13] =	ssyncset.done $0x0  }
0x48: {  	p0 =	sne.s32 s19, s6;
	[sflag:s13] =	ssyncadd.s32 $0xFFFFF800  }
.Ltmp3:
0x49: {  	[bflag:$0x0] =	sbarrier.arrive $0xFFFF;
	(pc) =	sbr.rel @p0 .LBB2_1-.Ltmp3, $4  }
0x4a: {  	[hbm:s5], [sflag:s16] =	dma.local [spmem:s17], $0x2800  }
0x4b: {  	_ =	swait.ge [sflag:s18], $0x2800  }
0x4c: {  	[sflag:s18] =	ssyncset.done $0x0  }
0x4d: {  	[sflag:s18] =	ssyncadd.s32 $0xFFFFD800  }
0x4e: {  	_ =	sfence.sel $0x180000  }
0x4f: {  	[bflag:$0x0] =	sbarrier.arrive $0xFFFF  }
0x50: {  	p0 =	sne.s32 s0, $0x0;
	_ =	strace $0x90000047  }
0x51: {  	s0 =	sadd.s32 @!p0 $0x100000, s1;
	[bflag:$0x2] =	sbarrier.arrive $0xFFFF  }
0x52: {  	[sflag:s0] =	ssyncadd.tile.s32 @!p0 $0x1;
	_ =	shalt  }
.Lfunc_end2:
_tile_overlayer_lowered:
.L_overlay_start_2:
0x53: {  	(tag) =	ssettag $0x2  }
0x54: {  	s0 =	rddreg [dreg:$0x0];
	s2 =	stileid.u32  }
0x55: {  	s1 =	rddreg [dreg:$0x1];
	p0 =	sne.s32 s2, $0x0  }
0x56: {  	s3 =	rddreg [dreg:$0x2];
	[bflag:$0x3] =	sbarrier.arrive $0xFFFF;
	s2 =	simm.s32 @!p0 $0x1C02  }
0x57: {  	[timem:s3], [sflag:s2] =	dma.local @!p0 [hbm:s0], s1  }
0x58: {  	s0 =	simm.s32 @!p0 $0x2  }
0x59: {  	_ =	swait.ge @!p0 [sflag:s0], s1  }
0x5a: {  	s1 =	ssub.s32 @!p0 $0x0, s1;
	[sflag:s0] =	ssyncset.done @!p0 $0x0  }
0x5b: {  	[sflag:s0] =	ssyncadd.s32 @!p0 s1  }
0x5c: {  	[bflag:$0x3] =	sbarrier.arrive $0xFFFF  }
0x5d: {  	_ =	shalt  }

</sc_bundles>
